<compile_context>
chip_gen: v7x
topology: tpu7x:2x2x1
jax: 0.10.2.dev20260603
libtpu: 0.0.44.dev20260713+nightly
codegen_flags: <defaults>
</compile_context>

<pallas_src>
import functools

import jax
import jax.numpy as jnp
from jax import lax
from jax.experimental import pallas as pl
from jax.experimental.pallas import tpu as pltpu
from jax.experimental.pallas import tpu_sc as plsc

B, T, FEAT, D, L, V, SUB = 8, 2048, 80, 256, 128, 8000, 4
EPS = 0.1
TE = T // SUB
N = B * L
TV = 1024
NV = (V + TV - 1) // TV


def _make_sc_gather():
    info = plsc.get_sparse_core_info()
    nc, ns = info.num_cores, info.num_subcores
    nw = nc * ns
    b_per_w = N // nw
    mesh = plsc.VectorSubcoreMesh(core_axis_name="c", subcore_axis_name="s")

    @functools.partial(
        pl.kernel,
        mesh=mesh,
        out_type=jax.ShapeDtypeStruct((N, D), jnp.float32),
        scratch_types=[
            pltpu.VMEM((b_per_w,), jnp.int32),
            pltpu.VMEM((b_per_w, D), jnp.float32),
            pltpu.SemaphoreType.DMA,
        ],
    )
    def gather_k(idx_hbm, table_hbm, out_hbm, idx_v, rows_v, sem):
        wid = lax.axis_index("s") * nc + lax.axis_index("c")
        base = wid * b_per_w
        pltpu.sync_copy(idx_hbm.at[pl.ds(base, b_per_w)], idx_v)
        pltpu.async_copy(table_hbm.at[idx_v], rows_v, sem).wait()
        pltpu.sync_copy(rows_v, out_hbm.at[pl.ds(base, b_per_w)])

    return gather_k


_sc_gather_cache = []


def _sc_gather(ids, emb):
    if not _sc_gather_cache:
        _sc_gather_cache.append(_make_sc_gather())
    return _sc_gather_cache[0](ids, emb)


def _tc_body(x_ref, lens_ref, e_ref, lab_ref, pad_ref, wsp_ref, wenc_ref,
             benc_ref, wout_ref, out_ref, dec_ref, m_ref, s_ref, sw_ref,
             zl_ref):
    i = pl.program_id(0)

    @pl.when(i == 0)
    def _encoder():
        h = jnp.dot(x_ref[...], wsp_ref[...].astype(jnp.bfloat16),
                    preferred_element_type=jnp.float32)
        h = jnp.dot(h.astype(jnp.bfloat16), wenc_ref[...].astype(jnp.bfloat16),
                    preferred_element_type=jnp.float32)
        h = jnp.maximum(h + benc_ref[...], 0.0)
        enc_len = lens_ref[...] // SUB
        tmask = (lax.broadcasted_iota(jnp.int32, (B, TE), 1)
                 < enc_len).astype(jnp.float32)
        h = h.reshape(B, TE, D) * tmask[:, :, None]
        ctx = h.sum(axis=1) / jnp.maximum(enc_len, 1).astype(jnp.float32)
        dec_ref[...] = (e_ref[...].reshape(B, L, D)
                        + ctx[:, None, :]).reshape(N, D).astype(jnp.bfloat16)
        m_ref[...] = jnp.full((N, 1), -1e30, jnp.float32)
        s_ref[...] = jnp.zeros((N, 1), jnp.float32)
        sw_ref[...] = jnp.zeros((D, 1), jnp.float32)
        zl_ref[...] = jnp.zeros((N, 1), jnp.float32)

    z = jnp.dot(dec_ref[...], wout_ref[...], preferred_element_type=jnp.float32)
    cols = i * TV + lax.broadcasted_iota(jnp.int32, (1, TV), 1)
    wt = wout_ref[...]

    def _tail(z, wt):
        valid = cols < V
        return (jnp.where(valid, z, -1e30),
                jnp.where(valid, wt, jnp.bfloat16(0.0)))

    zv, wt = lax.cond(i == NV - 1, _tail, lambda z, wt: (z, wt), z, wt)
    sw_ref[...] += jnp.sum(wt, axis=1, keepdims=True, dtype=jnp.float32)
    m_old = m_ref[...]
    m_new = jnp.maximum(m_old, jnp.max(zv, axis=1, keepdims=True))
    s_ref[...] = (s_ref[...] * jnp.exp(m_old - m_new)
                  + jnp.sum(jnp.exp(zv - m_new), axis=1, keepdims=True))
    m_ref[...] = m_new
    zl_ref[...] += jnp.sum(jnp.where(cols == lab_ref[...], z, 0.0),
                           axis=1, keepdims=True)

    @pl.when(i == NV - 1)
    def _finalize():
        lse = m_ref[...] + jnp.log(s_ref[...])
        sz = jnp.dot(dec_ref[...].astype(jnp.float32), sw_ref[...],
                     preferred_element_type=jnp.float32)
        loss_tok = lse - (1.0 - EPS) * zl_ref[...] - EPS * (sz / V)
        tmask = 1.0 - pad_ref[...]
        loss = jnp.sum(loss_tok * tmask) / jnp.maximum(jnp.sum(tmask), 1.0)
        out_ref[...] = loss.reshape(1, 1)


def _tc_main(x2, lens2, e, lab2, pad2, w_sp, w_enc, b_enc2, w_out,
             interpret=False):
    return pl.pallas_call(
        _tc_body,
        grid=(NV,),
        in_specs=[
            pl.BlockSpec((B * TE, SUB * FEAT), lambda i: (0, 0)),
            pl.BlockSpec((B, 1), lambda i: (0, 0)),
            pl.BlockSpec((N, D), lambda i: (0, 0)),
            pl.BlockSpec((N, 1), lambda i: (0, 0)),
            pl.BlockSpec((N, 1), lambda i: (0, 0)),
            pl.BlockSpec((SUB * FEAT, D), lambda i: (0, 0)),
            pl.BlockSpec((D, D), lambda i: (0, 0)),
            pl.BlockSpec((1, D), lambda i: (0, 0)),
            pl.BlockSpec((D, TV), lambda i: (0, i)),
        ],
        out_specs=pl.BlockSpec((1, 1), lambda i: (0, 0)),
        out_shape=jax.ShapeDtypeStruct((1, 1), jnp.float32),
        scratch_shapes=[
            pltpu.VMEM((N, D), jnp.bfloat16),
            pltpu.VMEM((N, 1), jnp.float32),
            pltpu.VMEM((N, 1), jnp.float32),
            pltpu.VMEM((D, 1), jnp.float32),
            pltpu.VMEM((N, 1), jnp.float32),
        ],
        interpret=interpret,
    )(x2, lens2, e, lab2, pad2, w_sp, w_enc, b_enc2, w_out)


def kernel(batch_wave, lengths, target_ids, target_labels, target_paddings,
           W_sp, W_enc, b_enc, emb, W_out):
    x2 = batch_wave.astype(jnp.bfloat16).reshape(B * TE, SUB * FEAT)
    lens2 = lengths.reshape(B, 1)
    ids = target_ids.reshape(N).astype(jnp.int32)
    lab2 = target_labels.reshape(N, 1).astype(jnp.int32)
    pad2 = target_paddings.reshape(N, 1)
    b_enc2 = b_enc.reshape(1, D)
    e = _sc_gather(ids, emb)
    loss = _tc_main(x2, lens2, e, lab2, pad2, W_sp, W_enc, b_enc2,
                    W_out.astype(jnp.bfloat16))
    return loss[0, 0]

# --- scband reference (transcript-rebuilt; emitter-appended) ---
"""Pipeline reference for scband-cif-36369783063100 (READ-ONLY COPY).

The authoritative reference and input builder live on the scoring server;
editing this copy changes nothing except your own understanding.
"""

import jax, jax.numpy as jnp
import numpy as np

B, T, FEAT, D, L, V, SUB = 8, 2048, 80, 256, 128, 8000, 4
EPS = 0.1

def setup_inputs(seed: int = 0) -> dict:
    key = jax.random.key(seed)
    ks = jax.random.split(key, 10)
    batch_wave = jax.random.normal(ks[0], (B, T, FEAT), dtype=jnp.float32)
    lengths = jax.random.randint(ks[1], (B,), 0, T).astype(jnp.int32)
    target_ids = jax.random.randint(ks[2], (B, L), 0, V)
    target_labels = jax.random.randint(ks[3], (B, L), 0, V)
    target_paddings = jnp.zeros((B, L), dtype=jnp.float32)
    W_sp = jax.random.normal(ks[4], (SUB * FEAT, D), dtype=jnp.float32) * (1.0 / np.sqrt(SUB * FEAT))
    W_enc = jax.random.normal(ks[5], (D, D), dtype=jnp.float32) * (1.0 / np.sqrt(D))
    b_enc = jnp.zeros((D,), dtype=jnp.float32)
    emb = jax.random.normal(ks[6], (V, D), dtype=jnp.float32) * 0.02
    W_out = jax.random.normal(ks[7], (D, V), dtype=jnp.float32) * (1.0 / np.sqrt(D))
    return {"batch_wave": batch_wave, "lengths": lengths, "target_ids": target_ids,
            "target_labels": target_labels, "target_paddings": target_paddings,
            "W_sp": W_sp, "W_enc": W_enc, "b_enc": b_enc, "emb": emb, "W_out": W_out}

def reference(batch_wave, lengths, target_ids, target_labels, target_paddings, W_sp, W_enc, b_enc, emb, W_out):
    # splayer: conv subsampling (kernel=stride=SUB) over acoustic frames
    x = batch_wave.reshape(B, T // SUB, SUB * FEAT)
    h = x @ W_sp
    enc_len = lengths // SUB
    mask = (jnp.arange(T // SUB)[None, :] < enc_len[:, None]).astype(jnp.float32)
    # encoder: masked FFN block over ragged valid frames
    h = jax.nn.relu(h @ W_enc + b_enc) * mask[:, :, None]
    ctx = h.sum(axis=1) / jnp.maximum(enc_len, 1).astype(jnp.float32)[:, None]
    # decoder: teacher-forced target embedding lookup + encoder context
    dec = jnp.take(emb, target_ids, axis=0) + ctx[:, None, :]
    logits = dec @ W_out
    # cal_ce_loss: label-smoothed cross entropy masked by target paddings
    logp = jax.nn.log_softmax(logits, axis=-1)
    nll = -jnp.take_along_axis(logp, target_labels[..., None], axis=-1)[..., 0]
    smooth = -logp.mean(axis=-1)
    tok_mask = 1.0 - target_paddings
    loss_tok = (1.0 - EPS) * nll + EPS * smooth
    loss = (loss_tok * tok_mask).sum() / jnp.maximum(tok_mask.sum(), 1.0)
    return loss

if __name__ == "__main__":
    import jax
    _d = setup_inputs()
    print(jax.jit(kernel)(*tuple(_d.values())))

</pallas_src>

<mosaic_0001>
#map = affine_map<(d0, d1) -> (0)>
#map1 = affine_map<(d0, d1) -> (0, 0)>
module attributes {stable_mosaic.version = 14 : i64} {
  func.func @gather_k(%arg0: i32, %arg1: i32, %arg2: memref<1024xi32, #tpu.memory_space<hbm>>, %arg3: memref<8000x256xf32, #tpu.memory_space<hbm>>, %arg4: memref<1024x256xf32, #tpu.memory_space<hbm>>, %arg5: memref<32xi32, #tpu.memory_space<vmem>>, %arg6: memref<32x256xf32, #tpu.memory_space<vmem>>, %arg7: memref<!tpu.dma_semaphore, #tpu.memory_space<semaphore_mem>>) attributes {dimension_semantics = [#tpu.dimension_semantics<core_parallel>, #tpu.dimension_semantics<subcore_parallel>], iteration_bounds = array<i64: 2, 16>, scalar_prefetch = 0 : i64, scratch_operands = 3 : i64, tpu.core_type = #tpu.core_type<sc_vector_subcore>, window_params = [{transform_indices = #map}, {transform_indices = #map1}, {transform_indices = #map1}]} {
    %mul3A = arith.constant 2 : i32
    %mul3A_0 = arith.muli %arg1, %mul3A : i32
    %add3A = arith.addi %mul3A_0, %arg0 : i32
    %mul3A_1 = arith.constant 32 : i32
    %mul3A_2 = arith.muli %add3A, %mul3A_1 : i32
    "tpu.region"() ({
      %run_scoped3A = tpu.sem_alloc : memref<!tpu.dma_semaphore, #tpu.memory_space<semaphore_mem>>
      %dma_start3A_7 = tpu.memref_slice %arg2[%mul3A_2] : memref<1024xi32, #tpu.memory_space<hbm>> -> memref<32xi32, #tpu.memory_space<hbm>>
      %dma_start3A_8 = tpu.memref_slice %arg2[%mul3A_2] : memref<1024xi32, #tpu.memory_space<hbm>> -> memref<32xi32, #tpu.memory_space<hbm>>
      tpu.enqueue_dma source(%dma_start3A_8 : memref<32xi32, #tpu.memory_space<hbm>>) target(%arg5 : memref<32xi32, #tpu.memory_space<vmem>>) target_semaphore(%run_scoped3A : memref<!tpu.dma_semaphore, #tpu.memory_space<semaphore_mem>>)
      %dma_wait3A_9 = tpu.memref_slice %arg2[%mul3A_2] : memref<1024xi32, #tpu.memory_space<hbm>> -> memref<32xi32, #tpu.memory_space<hbm>>
      %dma_wait3A_10 = tpu.memref_slice %arg2[%mul3A_2] : memref<1024xi32, #tpu.memory_space<hbm>> -> memref<32xi32, #tpu.memory_space<hbm>>
      tpu.wait_dma2 semaphore(%run_scoped3A : memref<!tpu.dma_semaphore, #tpu.memory_space<semaphore_mem>>) src(%dma_wait3A_10 : memref<32xi32, #tpu.memory_space<hbm>>) dst(%arg5 : memref<32xi32, #tpu.memory_space<vmem>>)
      tpu.yield
    }) : () -> ()
    %dma_start3A = arith.constant 0 : i32
    %dma_start3A_3 = arith.constant 0 : i32
    %dma_start3A_4 = tpu.memref_slice %arg3[%dma_start3A, %dma_start3A_3] : memref<8000x256xf32, #tpu.memory_space<hbm>> -> memref<8000x256xf32, #tpu.memory_space<hbm>>
    tpu.enqueue_indirect_dma source(%dma_start3A_4 : memref<8000x256xf32, #tpu.memory_space<hbm>>) target(%arg6 : memref<32x256xf32, #tpu.memory_space<vmem>>) offsets(%arg5 : memref<32xi32, #tpu.memory_space<vmem>>) semaphore(%arg7 : memref<!tpu.dma_semaphore, #tpu.memory_space<semaphore_mem>>)
    %dma_wait3A = arith.constant 0 : i32
    %dma_wait3A_5 = arith.constant 0 : i32
    %dma_wait3A_6 = tpu.memref_slice %arg3[%dma_wait3A, %dma_wait3A_5] : memref<8000x256xf32, #tpu.memory_space<hbm>> -> memref<8000x256xf32, #tpu.memory_space<hbm>>
    tpu.wait_indirect_dma semaphore(%arg7 : memref<!tpu.dma_semaphore, #tpu.memory_space<semaphore_mem>>) src(%dma_wait3A_6 : memref<8000x256xf32, #tpu.memory_space<hbm>>) dst(%arg6 : memref<32x256xf32, #tpu.memory_space<vmem>>)
    "tpu.region"() ({
      %run_scoped3A = tpu.sem_alloc : memref<!tpu.dma_semaphore, #tpu.memory_space<semaphore_mem>>
      %dma_start3A_7 = arith.constant 0 : i32
      %dma_start3A_8 = tpu.memref_slice %arg4[%mul3A_2, %dma_start3A_7] : memref<1024x256xf32, #tpu.memory_space<hbm>> -> memref<32x256xf32, #tpu.memory_space<hbm>>
      %dma_start3A_9 = arith.constant 0 : i32
      %dma_start3A_10 = tpu.memref_slice %arg4[%mul3A_2, %dma_start3A_9] : memref<1024x256xf32, #tpu.memory_space<hbm>> -> memref<32x256xf32, #tpu.memory_space<hbm>>
      tpu.enqueue_dma source(%arg6 : memref<32x256xf32, #tpu.memory_space<vmem>>) target(%dma_start3A_10 : memref<32x256xf32, #tpu.memory_space<hbm>>) target_semaphore(%run_scoped3A : memref<!tpu.dma_semaphore, #tpu.memory_space<semaphore_mem>>)
      %dma_wait3A_11 = arith.constant 0 : i32
      %dma_wait3A_12 = tpu.memref_slice %arg4[%mul3A_2, %dma_wait3A_11] : memref<1024x256xf32, #tpu.memory_space<hbm>> -> memref<32x256xf32, #tpu.memory_space<hbm>>
      %dma_wait3A_13 = arith.constant 0 : i32
      %dma_wait3A_14 = tpu.memref_slice %arg4[%mul3A_2, %dma_wait3A_13] : memref<1024x256xf32, #tpu.memory_space<hbm>> -> memref<32x256xf32, #tpu.memory_space<hbm>>
      tpu.wait_dma2 semaphore(%run_scoped3A : memref<!tpu.dma_semaphore, #tpu.memory_space<semaphore_mem>>) src(%arg6 : memref<32x256xf32, #tpu.memory_space<vmem>>) dst(%dma_wait3A_14 : memref<32x256xf32, #tpu.memory_space<hbm>>)
      tpu.yield
    }) : () -> ()
    return
  }
}

module attributes {stable_mosaic.version = 14 : i64} {
  func.func @_tc_body(%arg0: i32, %arg1: memref<4096x320xbf16, #tpu.memory_space<vmem>>, %arg2: memref<8x1xi32, #tpu.memory_space<vmem>>, %arg3: memref<1024x256xf32, #tpu.memory_space<vmem>>, %arg4: memref<1024x1xi32, #tpu.memory_space<vmem>>, %arg5: memref<1024x1xf32, #tpu.memory_space<vmem>>, %arg6: memref<320x256xf32, #tpu.memory_space<vmem>>, %arg7: memref<256x256xf32, #tpu.memory_space<vmem>>, %arg8: memref<1x256xf32, #tpu.memory_space<vmem>>, %arg9: memref<256x1024xbf16, #tpu.memory_space<vmem>>, %arg10: memref<1x1xf32, #tpu.memory_space<vmem>>, %arg11: memref<1024x256xbf16, #tpu.memory_space<vmem>>, %arg12: memref<1024x1xf32, #tpu.memory_space<vmem>>, %arg13: memref<1024x1xf32, #tpu.memory_space<vmem>>, %arg14: memref<256x1xf32, #tpu.memory_space<vmem>>, %arg15: memref<1024x1xf32, #tpu.memory_space<vmem>>) attributes {dimension_semantics = [#tpu.dimension_semantics<arbitrary>], iteration_bounds = array<i64: 8>, scalar_prefetch = 0 : i64, scratch_operands = 5 : i64, tpu.core_type = #tpu.core_type<tc>, window_params = [{pipeline_mode = #tpu.pipeline_mode<synchronous>, transform_indices = @transform_0, window_bounds = array<i64: 4096, 320>}, {pipeline_mode = #tpu.pipeline_mode<synchronous>, transform_indices = @transform_1, window_bounds = array<i64: 8, 1>}, {pipeline_mode = #tpu.pipeline_mode<synchronous>, transform_indices = @transform_2, window_bounds = array<i64: 1024, 256>}, {pipeline_mode = #tpu.pipeline_mode<synchronous>, transform_indices = @transform_3, window_bounds = array<i64: 1024, 1>}, {pipeline_mode = #tpu.pipeline_mode<synchronous>, transform_indices = @transform_4, window_bounds = array<i64: 1024, 1>}, {pipeline_mode = #tpu.pipeline_mode<synchronous>, transform_indices = @transform_5, window_bounds = array<i64: 320, 256>}, {pipeline_mode = #tpu.pipeline_mode<synchronous>, transform_indices = @transform_6, window_bounds = array<i64: 256, 256>}, {pipeline_mode = #tpu.pipeline_mode<synchronous>, transform_indices = @transform_7, window_bounds = array<i64: 1, 256>}, {transform_indices = @transform_8, window_bounds = array<i64: 256, 1024>}, {pipeline_mode = #tpu.pipeline_mode<synchronous>, transform_indices = @transform_9, window_bounds = array<i64: 1, 1>}]} {
    %eq3A = arith.constant 0 : i32
    %eq3A_0 = arith.cmpi eq, %arg0, %eq3A : i32
    %convert_element_type3A = arith.extui %eq3A_0 : i1 to i32
    %cond3A = arith.constant 0 : i32
    %cond3A_1 = arith.cmpi ne, %convert_element_type3A, %cond3A : i32
    scf.if %cond3A_1 {
      %get3A_71 = arith.constant 0 : index
      %get3A_72 = arith.constant 0 : index
      %get3A_73 = vector.load %arg1[%get3A_71, %get3A_72] : memref<4096x320xbf16, #tpu.memory_space<vmem>>, vector<4096x320xbf16>
      %get3A_74 = arith.constant 0 : index
      %get3A_75 = arith.constant 0 : index
      %get3A_76 = vector.load %arg6[%get3A_74, %get3A_75] : memref<320x256xf32, #tpu.memory_space<vmem>>, vector<320x256xf32>
      %convert_element_type3A_77 = arith.truncf %get3A_76 : vector<320x256xf32> to vector<320x256xbf16>
      %dot_general3A_78 = arith.constant dense<0.000000e+00> : vector<4096x256xf32>
      %dot_general3A_79 = tpu.matmul %get3A_73, %convert_element_type3A_77, %dot_general3A_78 {dimension_numbers = #tpu.dot_dimension_numbers<[1], [0], [0], [1], [0, 0, 1, 1], [], []>, transpose_lhs_hint = false} : vector<4096x320xbf16>, vector<320x256xbf16>, vector<4096x256xf32> -> vector<4096x256xf32>
      %convert_element_type3A_80 = arith.truncf %dot_general3A_79 : vector<4096x256xf32> to vector<4096x256xbf16>
      %get3A_81 = arith.constant 0 : index
      %get3A_82 = arith.constant 0 : index
      %get3A_83 = vector.load %arg7[%get3A_81, %get3A_82] : memref<256x256xf32, #tpu.memory_space<vmem>>, vector<256x256xf32>
      %convert_element_type3A_84 = arith.truncf %get3A_83 : vector<256x256xf32> to vector<256x256xbf16>
      %dot_general3A_85 = arith.constant dense<0.000000e+00> : vector<4096x256xf32>
      %dot_general3A_86 = tpu.matmul %convert_element_type3A_80, %convert_element_type3A_84, %dot_general3A_85 {dimension_numbers = #tpu.dot_dimension_numbers<[1], [0], [0], [1], [0, 0, 1, 1], [], []>, transpose_lhs_hint = false} : vector<4096x256xbf16>, vector<256x256xbf16>, vector<4096x256xf32> -> vector<4096x256xf32>
      %get3A_87 = arith.constant 0 : index
      %get3A_88 = arith.constant 0 : index
      %get3A_89 = vector.load %arg8[%get3A_87, %get3A_88] : memref<1x256xf32, #tpu.memory_space<vmem>>, vector<1x256xf32>
      %add3A_90 = vector.broadcast %get3A_89 : vector<1x256xf32> to vector<4096x256xf32>
      %add3A_91 = arith.addf %dot_general3A_86, %add3A_90 : vector<4096x256xf32>
      %max3A_92 = arith.constant 0.000000e+00 : f32
      %max3A_93 = vector.broadcast %max3A_92 : f32 to vector<4096x256xf32>
      %max3A_94 = arith.maximumf %add3A_91, %max3A_93 : vector<4096x256xf32>
      %get3A_95 = arith.constant 0 : index
      %get3A_96 = arith.constant 0 : index
      %get3A_97 = vector.load %arg2[%get3A_95, %get3A_96] : memref<8x1xi32, #tpu.memory_space<vmem>>, vector<8x1xi32>
      %jit3A_98 = arith.constant 4 : i32
      %div3A = vector.broadcast %jit3A_98 : i32 to vector<8x1xi32>
      %div3A_99 = arith.divsi %get3A_97, %div3A : vector<8x1xi32>
      %sign3A = arith.constant 0 : i32
      %sign3A_100 = vector.broadcast %sign3A : i32 to vector<8x1xi32>
      %sign3A_101 = arith.cmpi sgt, %get3A_97, %sign3A_100 : vector<8x1xi32>
      %sign3A_102 = arith.extui %sign3A_101 : vector<8x1xi1> to vector<8x1xi32>
      %sign3A_103 = arith.constant 0 : i32
      %sign3A_104 = vector.broadcast %sign3A_103 : i32 to vector<8x1xi32>
      %sign3A_105 = arith.cmpi slt, %get3A_97, %sign3A_104 : vector<8x1xi32>
      %sign3A_106 = arith.extui %sign3A_105 : vector<8x1xi1> to vector<8x1xi32>
      %sign3A_107 = arith.subi %sign3A_102, %sign3A_106 : vector<8x1xi32>
      %sign3A_108 = arith.constant 0 : i32
      %sign3A_109 = arith.cmpi sgt, %jit3A_98, %sign3A_108 : i32
      %sign3A_110 = arith.extui %sign3A_109 : i1 to i32
      %sign3A_111 = arith.constant 0 : i32
      %sign3A_112 = arith.cmpi slt, %jit3A_98, %sign3A_111 : i32
      %sign3A_113 = arith.extui %sign3A_112 : i1 to i32
      %sign3A_114 = arith.subi %sign3A_110, %sign3A_113 : i32
      %ne3A = vector.broadcast %sign3A_114 : i32 to vector<8x1xi32>
      %ne3A_115 = arith.cmpi ne, %sign3A_107, %ne3A : vector<8x1xi32>
      %rem3A = vector.broadcast %jit3A_98 : i32 to vector<8x1xi32>
      %rem3A_116 = arith.remsi %get3A_97, %rem3A : vector<8x1xi32>
      %ne3A_117 = arith.constant 0 : i32
      %ne3A_118 = vector.broadcast %ne3A_117 : i32 to vector<8x1xi32>
      %ne3A_119 = arith.cmpi ne, %rem3A_116, %ne3A_118 : vector<8x1xi32>
      %and3A = arith.andi %ne3A_115, %ne3A_119 : vector<8x1xi1>
      %sub3A_120 = arith.constant 1 : i32
      %sub3A_121 = vector.broadcast %sub3A_120 : i32 to vector<8x1xi32>
      %sub3A_122 = arith.subi %div3A_99, %sub3A_121 : vector<8x1xi32>
      %select_n3A_123 = arith.select %and3A, %sub3A_122, %div3A_99 : vector<8x1xi1>, vector<8x1xi32>
      %iota3A_124 = tpu.iota {dimensions = array<i32: 1>} : vector<8x512xi32>
      %lt3A = vector.broadcast %select_n3A_123 : vector<8x1xi32> to vector<8x512xi32>
      %lt3A_125 = arith.cmpi slt, %iota3A_124, %lt3A : vector<8x512xi32>
      %convert_element_type3A_126 = arith.extui %lt3A_125 : vector<8x512xi1> to vector<8x512xi32>
      %convert_element_type3A_127 = arith.sitofp %convert_element_type3A_126 : vector<8x512xi32> to vector<8x512xf32>
      %reshape3A = vector.shape_cast %max3A_94 : vector<4096x256xf32> to vector<8x512x256xf32>
      %broadcast_in_dim3A_128 = vector.shape_cast %convert_element_type3A_127 : vector<8x512xf32> to vector<8x512x1xf32>
      %mul3A_129 = vector.broadcast %broadcast_in_dim3A_128 : vector<8x512x1xf32> to vector<8x512x256xf32>
      %mul3A_130 = arith.mulf %reshape3A, %mul3A_129 : vector<8x512x256xf32>
      %reduce_sum3A_131 = arith.constant dense<0.000000e+00> : vector<8x256xf32>
      %reduce_sum3A_132 = vector.multi_reduction <add>, %mul3A_130, %reduce_sum3A_131 [1] : vector<8x512x256xf32> to vector<8x256xf32>
      %max3A_133 = arith.constant 1 : i32
      %max3A_134 = vector.broadcast %max3A_133 : i32 to vector<8x1xi32>
      %max3A_135 = arith.maxsi %select_n3A_123, %max3A_134 : vector<8x1xi32>
      %convert_element_type3A_136 = arith.sitofp %max3A_135 : vector<8x1xi32> to vector<8x1xf32>
      %div3A_137 = vector.broadcast %convert_element_type3A_136 : vector<8x1xf32> to vector<8x256xf32>
      %div3A_138 = arith.divf %reduce_sum3A_132, %div3A_137 : vector<8x256xf32>
      %get3A_139 = arith.constant 0 : index
      %get3A_140 = arith.constant 0 : index
      %get3A_141 = vector.load %arg3[%get3A_139, %get3A_140] : memref<1024x256xf32, #tpu.memory_space<vmem>>, vector<1024x256xf32>
      %reshape3A_142 = vector.shape_cast %get3A_141 : vector<1024x256xf32> to vector<8x128x256xf32>
      %broadcast_in_dim3A_143 = vector.shape_cast %div3A_138 : vector<8x256xf32> to vector<8x1x256xf32>
      %add3A_144 = vector.broadcast %broadcast_in_dim3A_143 : vector<8x1x256xf32> to vector<8x128x256xf32>
      %add3A_145 = arith.addf %reshape3A_142, %add3A_144 : vector<8x128x256xf32>
      %reshape3A_146 = vector.shape_cast %add3A_145 : vector<8x128x256xf32> to vector<1024x256xf32>
      %convert_element_type3A_147 = arith.truncf %reshape3A_146 : vector<1024x256xf32> to vector<1024x256xbf16>
      %swap3A_148 = arith.constant 0 : index
      %swap3A_149 = arith.constant 0 : index
      %swap3A_150 = vector.load %arg11[%swap3A_148, %swap3A_149] : memref<1024x256xbf16, #tpu.memory_space<vmem>>, vector<1024x256xbf16>
      tpu.vector_store %arg11[%swap3A_148, %swap3A_149], %convert_element_type3A_147 {strides = array<i32>} : memref<1024x256xbf16, #tpu.memory_space<vmem>>, vector<1024x256xbf16>,
      %broadcast_in_dim3A_151 = arith.constant -1.000000e+30 : f32
      %broadcast_in_dim3A_152 = vector.broadcast %broadcast_in_dim3A_151 : f32 to vector<1024x1xf32>
      %swap3A_153 = arith.constant 0 : index
      %swap3A_154 = arith.constant 0 : index
      %swap3A_155 = vector.load %arg12[%swap3A_153, %swap3A_154] : memref<1024x1xf32, #tpu.memory_space<vmem>>, vector<1024x1xf32>
      tpu.vector_store %arg12[%swap3A_153, %swap3A_154], %broadcast_in_dim3A_152 {strides = array<i32>} : memref<1024x1xf32, #tpu.memory_space<vmem>>, vector<1024x1xf32>,
      %broadcast_in_dim3A_156 = arith.constant 0.000000e+00 : f32
      %broadcast_in_dim3A_157 = vector.broadcast %broadcast_in_dim3A_156 : f32 to vector<1024x1xf32>
      %swap3A_158 = arith.constant 0 : index
      %swap3A_159 = arith.constant 0 : index
      %swap3A_160 = vector.load %arg13[%swap3A_158, %swap3A_159] : memref<1024x1xf32, #tpu.memory_space<vmem>>, vector<1024x1xf32>
      tpu.vector_store %arg13[%swap3A_158, %swap3A_159], %broadcast_in_dim3A_157 {strides = array<i32>} : memref<1024x1xf32, #tpu.memory_space<vmem>>, vector<1024x1xf32>,
      %broadcast_in_dim3A_161 = arith.constant 0.000000e+00 : f32
      %broadcast_in_dim3A_162 = vector.broadcast %broadcast_in_dim3A_161 : f32 to vector<256x1xf32>
      %swap3A_163 = arith.constant 0 : index
      %swap3A_164 = arith.constant 0 : index
      %swap3A_165 = vector.load %arg14[%swap3A_163, %swap3A_164] : memref<256x1xf32, #tpu.memory_space<vmem>>, vector<256x1xf32>
      tpu.vector_store %arg14[%swap3A_163, %swap3A_164], %broadcast_in_dim3A_162 {strides = array<i32>} : memref<256x1xf32, #tpu.memory_space<vmem>>, vector<256x1xf32>,
      %broadcast_in_dim3A_166 = arith.constant 0.000000e+00 : f32
      %broadcast_in_dim3A_167 = vector.broadcast %broadcast_in_dim3A_166 : f32 to vector<1024x1xf32>
      %swap3A_168 = arith.constant 0 : index
      %swap3A_169 = arith.constant 0 : index
      %swap3A_170 = vector.load %arg15[%swap3A_168, %swap3A_169] : memref<1024x1xf32, #tpu.memory_space<vmem>>, vector<1024x1xf32>
      tpu.vector_store %arg15[%swap3A_168, %swap3A_169], %broadcast_in_dim3A_167 {strides = array<i32>} : memref<1024x1xf32, #tpu.memory_space<vmem>>, vector<1024x1xf32>,
    } else {
    }
    %get3A = arith.constant 0 : index
    %get3A_2 = arith.constant 0 : index
    %get3A_3 = vector.load %arg11[%get3A, %get3A_2] : memref<1024x256xbf16, #tpu.memory_space<vmem>>, vector<1024x256xbf16>
    %get3A_4 = arith.constant 0 : index
    %get3A_5 = arith.constant 0 : index
    %get3A_6 = vector.load %arg9[%get3A_4, %get3A_5] : memref<256x1024xbf16, #tpu.memory_space<vmem>>, vector<256x1024xbf16>
    %dot_general3A = arith.constant dense<0.000000e+00> : vector<1024x1024xf32>
    %dot_general3A_7 = tpu.matmul %get3A_3, %get3A_6, %dot_general3A {dimension_numbers = #tpu.dot_dimension_numbers<[1], [0], [0], [1], [0, 0, 1, 1], [], []>, transpose_lhs_hint = false} : vector<1024x256xbf16>, vector<256x1024xbf16>, vector<1024x1024xf32> -> vector<1024x1024xf32>
    %mul3A = arith.constant 1024 : i32
    %mul3A_8 = arith.muli %arg0, %mul3A : i32
    %iota3A = tpu.iota {dimensions = array<i32: 1>} : vector<1x1024xi32>
    %add3A = vector.broadcast %mul3A_8 : i32 to vector<1x1024xi32>
    %add3A_9 = arith.addi %add3A, %iota3A : vector<1x1024xi32>
    %get3A_10 = arith.constant 0 : index
    %get3A_11 = arith.constant 0 : index
    %get3A_12 = vector.load %arg9[%get3A_10, %get3A_11] : memref<256x1024xbf16, #tpu.memory_space<vmem>>, vector<256x1024xbf16>
    %eq3A_13 = arith.constant 7 : i32
    %eq3A_14 = arith.cmpi eq, %arg0, %eq3A_13 : i32
    %convert_element_type3A_15 = arith.extui %eq3A_14 : i1 to i32
    %cond3A_16 = arith.constant 0 : i32
    %cond3A_17 = arith.cmpi ne, %convert_element_type3A_15, %cond3A_16 : i32
    %cond3A_18:2 = scf.if %cond3A_17 -> (vector<1024x1024xf32>, vector<256x1024xbf16>) {
      %lt3A = arith.constant 8000 : i32
      %lt3A_71 = vector.broadcast %lt3A : i32 to vector<1x1024xi32>
      %lt3A_72 = arith.cmpi slt, %add3A_9, %lt3A_71 : vector<1x1024xi32>
      %jit3A_73 = arith.constant -1.000000e+30 : f32
      %broadcast_in_dim3A_74 = vector.shape_cast %lt3A_72 : vector<1x1024xi1> to vector<1x1024xi1>
      %broadcast_in_dim3A_75 = vector.broadcast %broadcast_in_dim3A_74 : vector<1x1024xi1> to vector<1024x1024xi1>
      %broadcast_in_dim3A_76 = vector.broadcast %jit3A_73 : f32 to vector<1024x1024xf32>
      %select_n3A_77 = arith.select %broadcast_in_dim3A_75, %dot_general3A_7, %broadcast_in_dim3A_76 : vector<1024x1024xi1>, vector<1024x1024xf32>
      %jit3A_78 = arith.constant 0.000000e+00 : bf16
      %broadcast_in_dim3A_79 = vector.shape_cast %lt3A_72 : vector<1x1024xi1> to vector<1x1024xi1>
      %broadcast_in_dim3A_80 = vector.broadcast %broadcast_in_dim3A_79 : vector<1x1024xi1> to vector<256x1024xi1>
      %broadcast_in_dim3A_81 = vector.broadcast %jit3A_78 : bf16 to vector<256x1024xbf16>
      %select_n3A_82 = arith.select %broadcast_in_dim3A_80, %get3A_12, %broadcast_in_dim3A_81 : vector<256x1024xi1>, vector<256x1024xbf16>
      scf.yield %select_n3A_77, %select_n3A_82 : vector<1024x1024xf32>, vector<256x1024xbf16>
    } else {
      scf.yield %dot_general3A_7, %get3A_12 : vector<1024x1024xf32>, vector<256x1024xbf16>
    }
    %get3A_19 = arith.constant 0 : index
    %get3A_20 = arith.constant 0 : index
    %get3A_21 = vector.load %arg14[%get3A_19, %get3A_20] : memref<256x1xf32, #tpu.memory_space<vmem>>, vector<256x1xf32>
    %convert_element_type3A_22 = arith.extf %cond3A_18#1 : vector<256x1024xbf16> to vector<256x1024xf32>
    %reduce_sum3A = arith.constant dense<0.000000e+00> : vector<256xf32>
    %reduce_sum3A_23 = vector.multi_reduction <add>, %convert_element_type3A_22, %reduce_sum3A [1] : vector<256x1024xf32> to vector<256xf32>
    %broadcast_in_dim3A = vector.shape_cast %reduce_sum3A_23 : vector<256xf32> to vector<256x1xf32>
    %add3A_24 = arith.addf %get3A_21, %broadcast_in_dim3A : vector<256x1xf32>
    %swap3A = arith.constant 0 : index
    %swap3A_25 = arith.constant 0 : index
    %swap3A_26 = vector.load %arg14[%swap3A, %swap3A_25] : memref<256x1xf32, #tpu.memory_space<vmem>>, vector<256x1xf32>
    tpu.vector_store %arg14[%swap3A, %swap3A_25], %add3A_24 {strides = array<i32>} : memref<256x1xf32, #tpu.memory_space<vmem>>, vector<256x1xf32>,
    %get3A_27 = arith.constant 0 : index
    %get3A_28 = arith.constant 0 : index
    %get3A_29 = vector.load %arg12[%get3A_27, %get3A_28] : memref<1024x1xf32, #tpu.memory_space<vmem>>, vector<1024x1xf32>
    %reduce_max3A = arith.constant dense<0xFF800000> : vector<1024xf32>
    %reduce_max3A_30 = vector.multi_reduction <maximumf>, %cond3A_18#0, %reduce_max3A [1] : vector<1024x1024xf32> to vector<1024xf32>
    %broadcast_in_dim3A_31 = vector.shape_cast %reduce_max3A_30 : vector<1024xf32> to vector<1024x1xf32>
    %max3A = arith.maximumf %get3A_29, %broadcast_in_dim3A_31 : vector<1024x1xf32>
    %get3A_32 = arith.constant 0 : index
    %get3A_33 = arith.constant 0 : index
    %get3A_34 = vector.load %arg13[%get3A_32, %get3A_33] : memref<1024x1xf32, #tpu.memory_space<vmem>>, vector<1024x1xf32>
    %sub3A = arith.subf %get3A_29, %max3A : vector<1024x1xf32>
    %exp3A = math.exp %sub3A : vector<1024x1xf32>
    %mul3A_35 = arith.mulf %get3A_34, %exp3A : vector<1024x1xf32>
    %sub3A_36 = vector.broadcast %max3A : vector<1024x1xf32> to vector<1024x1024xf32>
    %sub3A_37 = arith.subf %cond3A_18#0, %sub3A_36 : vector<1024x1024xf32>
    %exp3A_38 = math.exp %sub3A_37 : vector<1024x1024xf32>
    %reduce_sum3A_39 = arith.constant dense<0.000000e+00> : vector<1024xf32>
    %reduce_sum3A_40 = vector.multi_reduction <add>, %exp3A_38, %reduce_sum3A_39 [1] : vector<1024x1024xf32> to vector<1024xf32>
    %broadcast_in_dim3A_41 = vector.shape_cast %reduce_sum3A_40 : vector<1024xf32> to vector<1024x1xf32>
    %add3A_42 = arith.addf %mul3A_35, %broadcast_in_dim3A_41 : vector<1024x1xf32>
    %swap3A_43 = arith.constant 0 : index
    %swap3A_44 = arith.constant 0 : index
    %swap3A_45 = vector.load %arg13[%swap3A_43, %swap3A_44] : memref<1024x1xf32, #tpu.memory_space<vmem>>, vector<1024x1xf32>
    tpu.vector_store %arg13[%swap3A_43, %swap3A_44], %add3A_42 {strides = array<i32>} : memref<1024x1xf32, #tpu.memory_space<vmem>>, vector<1024x1xf32>,
    %swap3A_46 = arith.constant 0 : index
    %swap3A_47 = arith.constant 0 : index
    %swap3A_48 = vector.load %arg12[%swap3A_46, %swap3A_47] : memref<1024x1xf32, #tpu.memory_space<vmem>>, vector<1024x1xf32>
    tpu.vector_store %arg12[%swap3A_46, %swap3A_47], %max3A {strides = array<i32>} : memref<1024x1xf32, #tpu.memory_space<vmem>>, vector<1024x1xf32>,
    %get3A_49 = arith.constant 0 : index
    %get3A_50 = arith.constant 0 : index
    %get3A_51 = vector.load %arg15[%get3A_49, %get3A_50] : memref<1024x1xf32, #tpu.memory_space<vmem>>, vector<1024x1xf32>
    %get3A_52 = arith.constant 0 : index
    %get3A_53 = arith.constant 0 : index
    %get3A_54 = vector.load %arg4[%get3A_52, %get3A_53] : memref<1024x1xi32, #tpu.memory_space<vmem>>, vector<1024x1xi32>
    %eq3A_55 = vector.broadcast %add3A_9 : vector<1x1024xi32> to vector<1024x1024xi32>
    %eq3A_56 = vector.broadcast %get3A_54 : vector<1024x1xi32> to vector<1024x1024xi32>
    %eq3A_57 = arith.cmpi eq, %eq3A_55, %eq3A_56 : vector<1024x1024xi32>
    %jit3A = arith.constant 0.000000e+00 : f32
    %broadcast_in_dim3A_58 = vector.broadcast %jit3A : f32 to vector<1024x1024xf32>
    %select_n3A = arith.select %eq3A_57, %dot_general3A_7, %broadcast_in_dim3A_58 : vector<1024x1024xi1>, vector<1024x1024xf32>
    %reduce_sum3A_59 = arith.constant dense<0.000000e+00> : vector<1024xf32>
    %reduce_sum3A_60 = vector.multi_reduction <add>, %select_n3A, %reduce_sum3A_59 [1] : vector<1024x1024xf32> to vector<1024xf32>
    %broadcast_in_dim3A_61 = vector.shape_cast %reduce_sum3A_60 : vector<1024xf32> to vector<1024x1xf32>
    %add3A_62 = arith.addf %get3A_51, %broadcast_in_dim3A_61 : vector<1024x1xf32>
    %swap3A_63 = arith.constant 0 : index
    %swap3A_64 = arith.constant 0 : index
    %swap3A_65 = vector.load %arg15[%swap3A_63, %swap3A_64] : memref<1024x1xf32, #tpu.memory_space<vmem>>, vector<1024x1xf32>
    tpu.vector_store %arg15[%swap3A_63, %swap3A_64], %add3A_62 {strides = array<i32>} : memref<1024x1xf32, #tpu.memory_space<vmem>>, vector<1024x1xf32>,
    %eq3A_66 = arith.constant 7 : i32
    %eq3A_67 = arith.cmpi eq, %arg0, %eq3A_66 : i32
    %convert_element_type3A_68 = arith.extui %eq3A_67 : i1 to i32
    %cond3A_69 = arith.constant 0 : i32
    %cond3A_70 = arith.cmpi ne, %convert_element_type3A_68, %cond3A_69 : i32
    scf.if %cond3A_70 {
      %get3A_71 = arith.constant 0 : index
      %get3A_72 = arith.constant 0 : index
      %get3A_73 = vector.load %arg12[%get3A_71, %get3A_72] : memref<1024x1xf32, #tpu.memory_space<vmem>>, vector<1024x1xf32>
      %get3A_74 = arith.constant 0 : index
      %get3A_75 = arith.constant 0 : index
      %get3A_76 = vector.load %arg13[%get3A_74, %get3A_75] : memref<1024x1xf32, #tpu.memory_space<vmem>>, vector<1024x1xf32>
      %log3A = math.log %get3A_76 : vector<1024x1xf32>
      %add3A_77 = arith.addf %get3A_73, %log3A : vector<1024x1xf32>
      %get3A_78 = arith.constant 0 : index
      %get3A_79 = arith.constant 0 : index
      %get3A_80 = vector.load %arg11[%get3A_78, %get3A_79] : memref<1024x256xbf16, #tpu.memory_space<vmem>>, vector<1024x256xbf16>
      %convert_element_type3A_81 = arith.extf %get3A_80 : vector<1024x256xbf16> to vector<1024x256xf32>
      %get3A_82 = arith.constant 0 : index
      %get3A_83 = arith.constant 0 : index
      %get3A_84 = vector.load %arg14[%get3A_82, %get3A_83] : memref<256x1xf32, #tpu.memory_space<vmem>>, vector<256x1xf32>
      %dot_general3A_85 = arith.constant dense<0.000000e+00> : vector<1024x1xf32>
      %dot_general3A_86 = tpu.matmul %convert_element_type3A_81, %get3A_84, %dot_general3A_85 {dimension_numbers = #tpu.dot_dimension_numbers<[1], [0], [0], [1], [0, 0, 1, 1], [], []>, transpose_lhs_hint = false} : vector<1024x256xf32>, vector<256x1xf32>, vector<1024x1xf32> -> vector<1024x1xf32>
      %get3A_87 = arith.constant 0 : index
      %get3A_88 = arith.constant 0 : index
      %get3A_89 = vector.load %arg15[%get3A_87, %get3A_88] : memref<1024x1xf32, #tpu.memory_space<vmem>>, vector<1024x1xf32>
      %mul3A_90 = arith.constant 0.899999976 : f32
      %mul3A_91 = vector.broadcast %mul3A_90 : f32 to vector<1024x1xf32>
      %mul3A_92 = arith.mulf %mul3A_91, %get3A_89 : vector<1024x1xf32>
      %sub3A_93 = arith.subf %add3A_77, %mul3A_92 : vector<1024x1xf32>
      %div3A = arith.constant 8.000000e+03 : f32
      %div3A_94 = vector.broadcast %div3A : f32 to vector<1024x1xf32>
      %div3A_95 = arith.divf %dot_general3A_86, %div3A_94 : vector<1024x1xf32>
      %mul3A_96 = arith.constant 1.000000e-01 : f32
      %mul3A_97 = vector.broadcast %mul3A_96 : f32 to vector<1024x1xf32>
      %mul3A_98 = arith.mulf %mul3A_97, %div3A_95 : vector<1024x1xf32>
      %sub3A_99 = arith.subf %sub3A_93, %mul3A_98 : vector<1024x1xf32>
      %get3A_100 = arith.constant 0 : index
      %get3A_101 = arith.constant 0 : index
      %get3A_102 = vector.load %arg5[%get3A_100, %get3A_101] : memref<1024x1xf32, #tpu.memory_space<vmem>>, vector<1024x1xf32>
      %sub3A_103 = arith.constant 1.000000e+00 : f32
      %sub3A_104 = vector.broadcast %sub3A_103 : f32 to vector<1024x1xf32>
      %sub3A_105 = arith.subf %sub3A_104, %get3A_102 : vector<1024x1xf32>
      %mul3A_106 = arith.mulf %sub3A_99, %sub3A_105 : vector<1024x1xf32>
      %reduce_sum3A_107 = vector.shape_cast %mul3A_106 : vector<1024x1xf32> to vector<1x1024x1xf32>
      %reduce_sum3A_108 = arith.constant dense<0.000000e+00> : vector<1xf32>
      %reduce_sum3A_109 = vector.multi_reduction <add>, %reduce_sum3A_107, %reduce_sum3A_108 [1, 2] : vector<1x1024x1xf32> to vector<1xf32>
      %reduce_sum3A_110 = vector.shape_cast %reduce_sum3A_109 : vector<1xf32> to vector<1x1x1xf32>
      %reduce_sum3A_111 = vector.extract %reduce_sum3A_110[0, 0, 0] : f32 from vector<1x1x1xf32>
      %reduce_sum3A_112 = vector.shape_cast %sub3A_105 : vector<1024x1xf32> to vector<1x1024x1xf32>
      %reduce_sum3A_113 = arith.constant dense<0.000000e+00> : vector<1xf32>
      %reduce_sum3A_114 = vector.multi_reduction <add>, %reduce_sum3A_112, %reduce_sum3A_113 [1, 2] : vector<1x1024x1xf32> to vector<1xf32>
      %reduce_sum3A_115 = vector.shape_cast %reduce_sum3A_114 : vector<1xf32> to vector<1x1x1xf32>
      %reduce_sum3A_116 = vector.extract %reduce_sum3A_115[0, 0, 0] : f32 from vector<1x1x1xf32>
      %max3A_117 = arith.constant 1.000000e+00 : f32
      %max3A_118 = arith.maximumf %reduce_sum3A_116, %max3A_117 : f32
      %div3A_119 = arith.divf %reduce_sum3A_111, %max3A_118 : f32
      %reshape3A = vector.broadcast %div3A_119 : f32 to vector<1x1xf32>
      %swap3A_120 = arith.constant 0 : index
      %swap3A_121 = arith.constant 0 : index
      %swap3A_122 = vector.load %arg10[%swap3A_120, %swap3A_121] : memref<1x1xf32, #tpu.memory_space<vmem>>, vector<1x1xf32>
      tpu.vector_store %arg10[%swap3A_120, %swap3A_121], %reshape3A {strides = array<i32>} : memref<1x1xf32, #tpu.memory_space<vmem>>, vector<1x1xf32>,
    } else {
    }
    return
  }
  func.func @transform_0(%arg0: i32) -> (i32, i32) {
    %c0_i32 = arith.constant 0 : i32
    %c0_i32_0 = arith.constant 0 : i32
    %c0_i32_1 = arith.constant 0 : i32
    return %c0_i32, %c0_i32_0 : i32, i32
  }
  func.func @transform_1(%arg0: i32) -> (i32, i32) {
    %c0_i32 = arith.constant 0 : i32
    %c0_i32_0 = arith.constant 0 : i32
    %c0_i32_1 = arith.constant 0 : i32
    return %c0_i32, %c0_i32_0 : i32, i32
  }
  func.func @transform_2(%arg0: i32) -> (i32, i32) {
    %c0_i32 = arith.constant 0 : i32
    %c0_i32_0 = arith.constant 0 : i32
    %c0_i32_1 = arith.constant 0 : i32
    return %c0_i32, %c0_i32_0 : i32, i32
  }
  func.func @transform_3(%arg0: i32) -> (i32, i32) {
    %c0_i32 = arith.constant 0 : i32
    %c0_i32_0 = arith.constant 0 : i32
    %c0_i32_1 = arith.constant 0 : i32
    return %c0_i32, %c0_i32_0 : i32, i32
  }
  func.func @transform_4(%arg0: i32) -> (i32, i32) {
    %c0_i32 = arith.constant 0 : i32
    %c0_i32_0 = arith.constant 0 : i32
    %c0_i32_1 = arith.constant 0 : i32
    return %c0_i32, %c0_i32_0 : i32, i32
  }
  func.func @transform_5(%arg0: i32) -> (i32, i32) {
    %c0_i32 = arith.constant 0 : i32
    %c0_i32_0 = arith.constant 0 : i32
    %c0_i32_1 = arith.constant 0 : i32
    return %c0_i32, %c0_i32_0 : i32, i32
  }
  func.func @transform_6(%arg0: i32) -> (i32, i32) {
    %c0_i32 = arith.constant 0 : i32
    %c0_i32_0 = arith.constant 0 : i32
    %c0_i32_1 = arith.constant 0 : i32
    return %c0_i32, %c0_i32_0 : i32, i32
  }
  func.func @transform_7(%arg0: i32) -> (i32, i32) {
    %c0_i32 = arith.constant 0 : i32
    %c0_i32_0 = arith.constant 0 : i32
    %c0_i32_1 = arith.constant 0 : i32
    return %c0_i32, %c0_i32_0 : i32, i32
  }
  func.func @transform_8(%arg0: i32) -> (i32, i32) {
    %c0_i32 = arith.constant 0 : i32
    %c0_i32_0 = arith.constant 0 : i32
    return %c0_i32, %arg0 : i32, i32
  }
  func.func @transform_9(%arg0: i32) -> (i32, i32) {
    %c0_i32 = arith.constant 0 : i32
    %c0_i32_0 = arith.constant 0 : i32
    %c0_i32_1 = arith.constant 0 : i32
    return %c0_i32, %c0_i32_0 : i32, i32
  }
}

</mosaic_0001>

<sc_bundles>
// kernel: kernel.4.cloned.1.call-start
scs
__scs_entry_jumppad:
0x0: {  	(pc) =	sbr.rel $0x88, $3  }
0x1: {  	(tag) =	ssettag $0x0;
	lr =	simm.s32 $0x1  }
0x2: {  	[smem:$0x3F97] =	sst lr;
	_ =	strace $0xD0000000  }
0x3: {  	_ = 	snop  }
0x4: {  	_ = 	snop  }
0x5: {  	_ = 	snop  }
0x6: {  	_ = 	snop  }
0x7: {  	_ = 	snop  }
__scs_overlays_trampoline_lowered:
0x8: {  	[smem:$0x3FA6] =	sst s0  }
0x9: {  	[smem:$0x3FA7] =	sst s1  }
0xa: {  	[smem:$0x3FA8] =	sst s2  }
0xb: {  	[smem:$0x3FA9] =	sst s3  }
0xc: {  	[smem:$0x3FAA] =	sst s4  }
0xd: {  	[smem:$0x3FAB] =	sst s5  }
0xe: {  	[smem:$0x3FAC] =	sst s6  }
0xf: {  	[smem:$0x3FAD] =	sst s7  }
0x10: {  	[smem:$0x3FAE] =	sst s8  }
0x11: {  	[smem:$0x3FAF] =	sst s9;
	s0 =	simm.s32 @!p0 $0x0  }
0x12: {  	s1 =	sld [smem:$0x3F95];
	s0 =	simm.s32 @p0 $0x1  }
0x13: {  	[smem:$0x3FB0] =	sst s0;
	s0 =	simm.s32 @!p1 $0x0  }
0x14: {  	s2 =	sld [smem:$0x3F94];
	s0 =	simm.s32 @p1 $0x1  }
0x15: {  	[smem:$0x3FB1] =	sst s0;
	s0 =	simm.s32 @!p2 $0x0  }
0x16: {  	s3 =	sld [smem:$0x3FDB];
	s0 =	simm.s32 @p2 $0x1  }
0x17: {  	s4 =	simm.s32 $0x1BF5;
	[smem:$0x3FB3] =	sst s0  }
0x18: {  	s0 =	sld [smem:$0x3F96];
	_ =	swait.ge [sflag:s4], $0x0  }
0x19: {  	s7 =	sld [smem:$0x3F97]  }
0x1a: {  	s8 =	sadd.s32 $0xFFFFE003, lr  }
0x1b: {  	s9 =	sadd.s32 $0xFFFFFEF7, lr;
	s5 =	simm.s32 $0xFFFFFFFF;
	p2 =	slt.u32 s8, $0xFFFFF086  }
0x1c: {  	p1 =	slt.u32 s9, $0xF7A;
	s5 =	simm.s32 @!p2 $0x0  }
0x1d: {  	s5 =	simm.s32 @p1 $0x1;
	p0 =	seq.s32 s7, s2  }
0x1e: {  	s7 =	smul.u32 @!p0 $0xF7A, s2;
	p2 =	seq.s32 @!p0 s5, $0x0  }
0x1f: {  	s9 =	smul.u32 $0xF7A, s1;
	s8 =	simm.s32 @!p0 $0x1BF5;
	p2 =	por !p2, p0  }
0x20: {  	[sflag:s8] =	ssyncset.s32 @!p0 $0xFFFFF086;
	s6 =	sadd.s32 @!p0 s3, s7;
	s7 =	simm.s32 @!p0 $0x108  }
0x21: {  	s3 =	sadd.s32 s3, s9;
	s6 =	sadd.s32 @!p0 $0x88, s6;
	s7 =	simm.s32 @p2 $0x1082  }
0x22: {  	[simem:s7], [sflag:s8] =	dma.local @!p0 [hbm:s6], $0xF7A  }
0x23: {  	s9 =	sor.u32 $0xD0000000, s2;
	s6 =	simm.s32 $0x108;
	_ =	swait.ge @!p0 [sflag:s8], $0x0  }
0x24: {  	s3 =	sadd.s32 $0x88, s3;
	s6 =	simm.s32 @!p1 $0x1082;
	[sflag:s4] =	ssyncset.s32 $0xFFFFF086  }
0x25: {  	[simem:s6], [sflag:s4] =	dma.local [hbm:s3], $0xF7A  }
0x26: {  	[smem:$0x3F97] =	sst s1;
	(tag) =	ssettag s2;
	_ =	strace s9  }
0x27: {  	s1 =	sld [smem:$0x3FA7]  }
0x28: {  	s2 =	sld [smem:$0x3FA8]  }
0x29: {  	s4 =	sld [smem:$0x3FAA]  }
0x2a: {  	p0 =	seq.s32 s5, $0x0;
	s5 =	sld [smem:$0x3FAB]  }
0x2b: {  	s6 =	sld [smem:$0x3FAC]  }
0x2c: {  	s7 =	sld [smem:$0x3FAD]  }
0x2d: {  	s3 =	simm.s32 $0x108;
	s8 =	sld [smem:$0x3FAE]  }
0x2e: {  	s3 =	simm.s32 @!p0 $0x1082;
	s9 =	sld [smem:$0x3FAF]  }
0x2f: {  	lr =	sadd.s32 s0, s3;
	s0 =	sld [smem:$0x3FA6]  }
0x30: {  	s3 =	sld [smem:$0x3FA9]  }
0x31: {  	[smem:$0x3FB2] =	sst s10  }
0x32: {  	s10 =	sld [smem:$0x3FB0];
	_ =	sdelay $0x3  }
0x33: {  	p0 =	seq.s32 s10, $0x1;
	s10 =	sld [smem:$0x3FB2];
	_ =	sdelay $0x3  }
0x34: {  	[smem:$0x3FB2] =	sst s10  }
0x35: {  	s10 =	sld [smem:$0x3FB1];
	_ =	sdelay $0x3  }
0x36: {  	p1 =	seq.s32 s10, $0x1;
	s10 =	sld [smem:$0x3FB2];
	_ =	sdelay $0x3  }
0x37: {  	[smem:$0x3FB2] =	sst s10  }
0x38: {  	s10 =	sld [smem:$0x3FB3]  }
0x39: {  	_ = 	snop;
	(pc) =	sbr.ind lr, $3  }
0x3a: {  	_ = 	snop  }
0x3b: {  	_ = 	snop  }
0x3c: {  	p2 =	seq.s32 s10, $0x1;
	s10 =	sld [smem:$0x3FB2]  }
0x3d: {  	_ =	shalt  }
0x3e: {  	_ =	shalt  }
0x3f: {  	_ =	shalt  }
0x40: {  	_ =	shalt  }
0x41: {  	_ =	shalt  }
0x42: {  	_ =	shalt  }
0x43: {  	_ =	shalt  }
0x44: {  	_ =	shalt  }
0x45: {  	_ =	shalt  }
0x46: {  	_ =	shalt  }
0x47: {  	_ =	shalt  }
0x48: {  	_ =	shalt  }
0x49: {  	_ =	shalt  }
0x4a: {  	_ =	shalt  }
0x4b: {  	_ =	shalt  }
0x4c: {  	_ =	shalt  }
0x4d: {  	_ =	shalt  }
0x4e: {  	_ =	shalt  }
0x4f: {  	_ =	shalt  }
0x50: {  	_ =	shalt  }
0x51: {  	_ =	shalt  }
0x52: {  	_ =	shalt  }
0x53: {  	_ =	shalt  }
0x54: {  	_ =	shalt  }
0x55: {  	_ =	shalt  }
0x56: {  	_ =	shalt  }
0x57: {  	_ =	shalt  }
0x58: {  	_ =	shalt  }
0x59: {  	_ =	shalt  }
0x5a: {  	_ =	shalt  }
0x5b: {  	_ =	shalt  }
0x5c: {  	_ =	shalt  }
0x5d: {  	_ =	shalt  }
0x5e: {  	_ =	shalt  }
0x5f: {  	_ =	shalt  }
0x60: {  	_ =	shalt  }
0x61: {  	_ =	shalt  }
0x62: {  	_ =	shalt  }
0x63: {  	_ =	shalt  }
0x64: {  	_ =	shalt  }
0x65: {  	_ =	shalt  }
0x66: {  	_ =	shalt  }
0x67: {  	_ =	shalt  }
0x68: {  	_ =	shalt  }
0x69: {  	_ =	shalt  }
0x6a: {  	_ =	shalt  }
0x6b: {  	_ =	shalt  }
0x6c: {  	_ =	shalt  }
0x6d: {  	_ =	shalt  }
0x6e: {  	_ =	shalt  }
0x6f: {  	_ =	shalt  }
0x70: {  	_ =	shalt  }
0x71: {  	_ =	shalt  }
0x72: {  	_ =	shalt  }
0x73: {  	_ =	shalt  }
0x74: {  	_ =	shalt  }
0x75: {  	_ =	shalt  }
0x76: {  	_ =	shalt  }
0x77: {  	_ =	shalt  }
0x78: {  	_ =	shalt  }
0x79: {  	_ =	shalt  }
0x7a: {  	_ =	shalt  }
0x7b: {  	_ =	shalt  }
0x7c: {  	_ =	shalt  }
0x7d: {  	_ =	shalt  }
0x7e: {  	_ =	shalt  }
0x7f: {  	_ =	shalt  }
0x80: {  	_ =	shalt  }
0x81: {  	_ =	shalt  }
0x82: {  	_ =	shalt  }
0x83: {  	_ =	shalt  }
0x84: {  	_ =	shalt  }
0x85: {  	_ =	shalt  }
0x86: {  	_ =	shalt  }
0x87: {  	_ =	shalt  }
.Lfunc_end0:
.L_simem_size_0:
called_computation_lowered:
.L_overlay_start_0:
0x88: {  	s2 =	sld [smem:$0x3FD9]  }
0x89: {  	s3 =	sld [smem:$0x3FFE];
	_ =	sdelay $0x1  }
0x8a: {  	s1 =	srdreg.scid  }
0x8b: {  	s0 =	sand.u32 $0x1, s1  }
0x8c: {  	s17 =	sshll.u32 s0, $0xA;
	s2 =	sadd.s32 s3, s2  }
0x8d: {  	s2 =	sadd.s32 s2, s17  }
0x8e: {  	[smem:$0x3FBE] =	sst s2  }
0x8f: {  	_ = 	snop  }
0x90: {  	s2 =	sld [smem:$0x3FC7]  }
0x91: {  	s18 =	sld [smem:$0x3FC1];
	(tm) =	ssettm $0x1  }
0x92: {  	s4 =	sld [smem:$0x3FFB];
	_ =	sdelay $0x3  }
0x93: {  	_ =	strace s4  }
0x94: {  	s4 =	sld [smem:$0x3FFC];
	_ =	sdelay $0x3  }
0x95: {  	_ =	strace s4  }
0x96: {  	s4 =	sld [smem:$0x3FFD];
	_ =	sdelay $0x3  }
0x97: {  	_ =	strace s4  }
0x98: {  	_ =	strace $0x8FFFFFFF  }
0x99: {  	s19 =	sld [smem:$0x3FDB];
	_ =	sdelay $0x1  }
0x9a: {  	s5 =	simm.s32 $_scs_section_size  }
0x9b: {  	s6 =	simm.s32 $_size__tile_overlayer_lowered;
	s7 =	simm.s32 $_tile_overlayer_lowered  }
0x9c: {  	s22 =	simm.s32 $0x1BFF;
	s21 =	sshll.u32 s7, $0x1;
	s4 =	sadd.s32 s5, s19  }
0x9d: {  	s8 =	simm.s32 $0x0;
	s20 =	sshll.u32 s6, $0x1;
	s6 =	sadd.s32 s21, s4  }
0x9e: {  	[timem:s8], [sflag:s22] =	dma.local [hbm:s6], s20  }
0x9f: {  	_ =	swait.ge [sflag:s22], s20  }
0xa0: {  	s5 =	ssub.s32 $0x0, s20;
	[sflag:s22] =	ssyncset.done $0x0  }
0xa1: {  	[sflag:s22] =	ssyncadd.s32 s5;
	_ =	sdelay $0x1  }
0xa2: {  	s23 =	simm.s32 $0x1B8B  }
0xa3: {  	_ =	swait.ge [sflag:s23], $0x1  }
0xa4: {  	[sflag:s23] =	ssyncset.done $0x0  }
0xa5: {  	s25 =	simm.s32 $0x1B8E;
	s24 =	sld [smem:$0x3FFE];
	[sflag:s23] =	ssyncadd.s32 $0xFFFFFFFF  }
0xa6: {  	s26 =	simm.s32 $execute0_lowered;
	[smem:$0x3FD2] =	sst s25  }
0xa7: {  	s6 =	sshll.u32 s26, $0x1;
	_ =	strace $0x80000046;
	[dreg:$0x1] =	wrdreg $0xFFFFFFFF  }
0xa8: {  	s28 =	simm.s32 $_size_execute0_lowered;
	s4 =	sadd.s32 s4, s6;
	[dreg:$0x0] =	wrdreg $0x0  }
0xa9: {  	s6 =	sshll.u32 s28, $0x1;
	[dreg:$0x2] =	wrdreg s4  }
0xaa: {  	[dreg:$0x3] =	wrdreg s6  }
0xab: {  	[dreg:$0x4] =	wrdreg $0xC0  }
0xac: {  	_ =	task [dreg:s8], $0x5FFFF  }
0xad: {  	[dreg:$0x1] =	wrdreg $0xFFFFFFFF  }
0xae: {  	[dreg:$0x0] =	wrdreg $0x60  }
0xaf: {  	[dreg:$0x2] =	wrdreg s2  }
0xb0: {  	[dreg:$0x3] =	wrdreg s18  }
0xb1: {  	[dreg:$0x4] =	wrdreg s24  }
0xb2: {  	[dreg:$0x5] =	wrdreg $0x9  }
0xb3: {  	_ =	task.clear_ibuf [dreg:s8], $0x6FFFF;
	_ =	strace $0x90000046  }
0xb4: {  	s29 =	simm.s32 $0x9;
	_ =	strace $0x80000048  }
0xb5: {  	_ =	swait.ge [sflag:s29], $0x1  }
0xb6: {  	[sflag:s29] =	ssyncadd.s32 $0xFFFFFFFF  }
0xb7: {  	_ =	strace $0x90000048  }
0xb8: {  	_ =	sfence  }
0xb9: {  	s30 =	sld [smem:$0x0];
	_ =	sdelay $0x2  }
0xba: {  	s31 =	sshll.u32 s1, $0xD;
	s1 =	sshrl.u32 s1, $0x2  }
0xbb: {  	s3 =	sand.u32 $0x4000, s31;
	s1 =	sadd.s32 s1, s30  }
0xbc: {  	s0 =	sor.u32 s3, s0;
	s1 =	sshll.u32 s1, $0x11  }
0xbd: {  	s0 =	sor.u32 s1, s0  }
0xbe: {  	s0 =	sadd.s32 $0x8F2B, s0  }
0xbf: {  	[sflag:s0] =	ssyncadd.remote.s32 $0x1  }
0xc0: {  	_ =	sfence.sel $0xFFFF  }
0xc1: {  	[dreg:$0x0] =	wrdreg $0xFFFFFFFF;
	(pc) =	sbr.abs _section_cstart, $3  }
0xc2: {  	[dreg:$0x1] =	wrdreg $0xFFFFFFFF  }
0xc3: {  	_ =	task.clear_ibuf [dreg:s8], $0x2FFFF;
	_ =	strace $0x9FFFFFFF  }
0xc4: {  	(tm) =	ssettm $0x7FFFFFFF  }
0xc5: {  	_ =	shalt  }
tec
execute0_lowered:
.L_overlay_start_1:
0x0: {  	(tag) =	ssettag $0x1  }
0x1: {  	s4 =	rddreg [dreg:$0x0]  }
0x2: {  	s2 =	rddreg [dreg:$0x1]  }
0x3: {  	s5 =	rddreg [dreg:$0x2];
	s3 =	srdreg.scid  }
0x4: {  	s0 =	rddreg [dreg:$0x3];
	s1 =	stileid.u32;
	s10 =	simm.s32 $0x1080  }
0x5: {  	s11 =	simm.s32 $0x1880;
	s12 =	simm.s32 $0x1;
	s6 =	sand.u32 $0x1, s3  }
0x6: {  	s3 =	simm.s32 $0x0;
	s7 =	sshll.u32 s1, $0x6;
	s8 =	sshll.u32 s6, $0x5  }
0x7: {  	[smem:$0x7FF] =	sst s3;
	s6 =	ssub.s32 $0x2, s6;
	s7 =	sor.u32 s8, s7  }
0x8: {  	_ =	strace $0x80000047;
	s9 =	sshrl.u32 s6, $0x1;
	s8 =	sshll.u32 s7, $0x5  }
0x9: {  	v2 =	vlaneseq.u32;
	s6 =	ssub.s32 s6, s9;
	s7 =	sshrl.u32 s7, $0x3;
	s9 =	simm.s32 $0x880  }
0xa: {  	vm0 =	vmmov $0xffff;
	v1 =	vshrl.u32 v2, $0x3;
	s5 =	sadd.s32 s8, s5;
	s4 =	sadd.s32 s4, s7;
	s6 =	smax.u32 s6, $0x1  }
0xb: {  	v0 =	vand.u32 $0x7, v2;
	v2 =	vor.u32 $0x8, v2;
	v1 =	vmul.u32 $0x8, v1;
	s7 =	simm.s32 $0x2;
	s8 =	simm.s32 $0x80;
	s5 =	sadd.s32 $0x1C00, s5  }
.LBB2_1:
0xc: {  	[tilespmem:s3], [sflag:$0x2] =	stream.linear.gather [hbm4b:s4+s3], $0x20, $0x38;
	[tilespmem:$0x2080] =	vst v63  }
0xd: {  	_ =	swait.ge [sflag:s7], $0x20  }
0xe: {  	[sflag:s7] =	ssyncset.done $0x0  }
0xf: {  	[sflag:s7] =	ssyncadd.s32 $0xFFFFFFE0  }
0x10: {  	v3 =	vld [tilespmem:$0x0];
	_ =	sdelay $0x4  }
0x11: {  	v4 =	vshll.u32 v3, $0x1  }
0x12: {  	v3 =	vand.u32 $0x7, v3;
	v4 =	vand.u32 $0xFFFFFFF0, v4  }
0x13: {  	v3 =	vor.u32 v3, v4  }
0x14: {  	v4 =	vperm.xlane v3, v0;
	_ =	sdelay $0x1  }
0x15: {  	v3 =	vperm.xlane v3, v2;
	v4 =	vadd.s32 v1, v4;
	_ =	sdelay $0x1  }
0x16: {  	v3 =	vadd.s32 v1, v3;
	_ =	sdelay $0x2  }
0x17: {  	[tilespmem:s8], [sflag:$0x1] =	stream.indirect_vreg.gather [hbm4b:s2+s3], $0x80, v4, vm0, $0xb8;
	[tilespmem:$0x2080] =	vst v63  }
0x18: {  	_ = 	snop  }
0x19: {  	[tilespmem:s9], [sflag:$0x1] =	stream.indirect_vreg.gather [hbm4b:s2+s3], $0x80, v3, vm0, $0xb8;
	[tilespmem:$0x2080] =	vst v63  }
0x1a: {  	v3 =	vld [tilespmem:$0x10];
	_ =	sdelay $0x4  }
0x1b: {  	v63 =	vshll.u32 v3, $0x1  }
0x1c: {  	v3 =	vand.u32 $0x7, v3;
	v4 =	vand.u32 $0xFFFFFFF0, v63  }
0x1d: {  	v3 =	vor.u32 v3, v4  }
0x1e: {  	v4 =	vperm.xlane v3, v0;
	_ =	sdelay $0x1  }
0x1f: {  	v3 =	vperm.xlane v3, v2;
	v4 =	vadd.s32 v1, v4;
	_ =	sdelay $0x1  }
0x20: {  	v3 =	vadd.s32 v1, v3;
	_ =	sdelay $0x2  }
0x21: {  	[tilespmem:s10], [sflag:$0x1] =	stream.indirect_vreg.gather [hbm4b:s2+s3], $0x80, v4, vm0, $0xb8;
	[tilespmem:$0x2080] =	vst v63  }
0x22: {  	_ = 	snop  }
0x23: {  	[tilespmem:s11], [sflag:$0x1] =	stream.indirect_vreg.gather [hbm4b:s2+s3], $0x80, v3, vm0, $0xb8;
	[tilespmem:$0x2080] =	vst v63  }
0x24: {  	_ =	swait.ge [sflag:s12], $0x2000  }
0x25: {  	p0 =	sne.s32 s6, $0x1;
	[sflag:s12] =	ssyncset.done $0x0  }
.Ltmp0:
0x26: {  	[sflag:s12] =	ssyncadd.s32 $0xFFFFE000;
	(pc) =	sbr.rel @p0 .LBB2_1-.Ltmp0, $4  }
0x27: {  	[hbm4b:s5+s3] =	stream.linear.scatter [tilespmem:s8], [sflag:$0x2], $0x2000, $0x38;
	[tilespmem:$0x2080] =	vst v63  }
0x28: {  	_ =	swait.ge [sflag:s7], $0x2000  }
0x29: {  	[sflag:s7] =	ssyncset.done $0x0  }
0x2a: {  	s6 =	sadd.s32 $0xFFFFFFFF, s6;
	[sflag:s7] =	ssyncadd.s32 $0xFFFFE000  }
0x2b: {  	_ =	sfence.sel $0x180000  }
0x2c: {  	[bflag:$0x0] =	sbarrier.arrive $0xFFFF  }
0x2d: {  	p0 =	sne.s32 s1, $0x0;
	_ =	strace $0x90000047  }
0x2e: {  	s0 =	sadd.s32 @!p0 $0x100000, s0;
	[bflag:$0x2] =	sbarrier.arrive $0xFFFF  }
0x2f: {  	[sflag:s0] =	ssyncadd.tile.s32 @!p0 $0x1;
	_ =	shalt  }
.Lfunc_end2:
_tile_overlayer_lowered:
.L_overlay_start_2:
0x30: {  	(tag) =	ssettag $0x2  }
0x31: {  	s0 =	rddreg [dreg:$0x0];
	s2 =	stileid.u32  }
0x32: {  	s1 =	rddreg [dreg:$0x1];
	p0 =	sne.s32 s2, $0x0  }
0x33: {  	s3 =	rddreg [dreg:$0x2];
	[bflag:$0x3] =	sbarrier.arrive $0xFFFF;
	s2 =	simm.s32 @!p0 $0x1C02  }
0x34: {  	[timem:s3], [sflag:s2] =	dma.local @!p0 [hbm:s0], s1  }
0x35: {  	s0 =	simm.s32 @!p0 $0x2  }
0x36: {  	_ =	swait.ge @!p0 [sflag:s0], s1  }
0x37: {  	s1 =	ssub.s32 @!p0 $0x0, s1;
	[sflag:s0] =	ssyncset.done @!p0 $0x0  }
0x38: {  	[sflag:s0] =	ssyncadd.s32 @!p0 s1  }
0x39: {  	[bflag:$0x3] =	sbarrier.arrive $0xFFFF  }
0x3a: {  	_ =	shalt  }

</sc_bundles>
